<compile_context>
chip_gen: v7x
topology: tpu7x:2x2x1
jax: 0.10.2.dev20260603
libtpu: 0.0.44.dev20260713+nightly
codegen_flags: <defaults>
</compile_context>

<pallas_src>
import functools

import jax
import jax.numpy as jnp
from jax import lax
from jax.experimental import pallas as pl
from jax.experimental.pallas import tpu as pltpu
from jax.experimental.pallas import tpu_sc as plsc

DIM = 2048
ROWS = 16384
NC = 2
NS = 16
L = 16
NW = NC * NS
ROWS_PER_W = ROWS // NW
R = 4
CHUNKS = ROWS_PER_W // R
NBLK = DIM // L
NBUF = 4


def _body(z_hbm, perm_hbm, out_hbm,
          in0, in1, in2, in3, out0, out1, out2, out3,
          sem_in0, sem_in1, sem_in2, sem_in3,
          sem_out0, sem_out1, sem_out2, sem_out3):
    del perm_hbm
    ins = (in0, in1, in2, in3)
    outs = (out0, out1, out2, out3)
    sem_ins = (sem_in0, sem_in1, sem_in2, sem_in3)
    sem_outs = (sem_out0, sem_out1, sem_out2, sem_out3)

    wid = lax.axis_index("s") * NC + lax.axis_index("c")
    row0 = wid * ROWS_PER_W

    def start_in(ci, b):
        pltpu.async_copy(z_hbm.at[pl.ds(row0 + ci * R, R)], ins[b],
                         sem_ins[b])

    def wait_in(b):
        pltpu.make_async_copy(z_hbm.at[pl.ds(row0, R)], ins[b],
                              sem_ins[b]).wait()

    def start_out(ci, b):
        pltpu.async_copy(outs[b], out_hbm.at[pl.ds(row0 + ci * R, R)],
                         sem_outs[b])

    def wait_out(b):
        pltpu.make_async_copy(outs[b], out_hbm.at[pl.ds(row0, R)],
                              sem_outs[b]).wait()

    def compute(in_ref, out_ref):
        @plsc.parallel_loop(0, R)
        def row(r):
            @plsc.parallel_loop(0, NBLK, unroll=8)
            def blk(j):
                v = in_ref[r, pl.ds((NBLK - 1 - j) * L, L)]
                out_ref[r, pl.ds(j * L, L)] = lax.rev(v, (0,))

    for b in range(NBUF):
        start_in(b, b)

    def outer(g, carry):
        for b in range(NBUF):
            ci = g * NBUF + b
            wait_in(b)

            @pl.when(ci >= NBUF)
            def _():
                wait_out(b)

            compute(ins[b], outs[b])
            start_out(ci, b)

            @pl.when(ci + NBUF < CHUNKS)
            def _():
                start_in(ci + NBUF, b)
        return carry

    lax.fori_loop(0, CHUNKS // NBUF, outer, 0)

    for b in range(NBUF):
        wait_out(b)


def kernel(z, permute):
    mesh = plsc.VectorSubcoreMesh(core_axis_name="c", subcore_axis_name="s")
    run = functools.partial(
        pl.kernel,
        out_type=jax.ShapeDtypeStruct((ROWS, DIM), jnp.float32),
        mesh=mesh,
        scratch_types=(
            [pltpu.VMEM((R, DIM), jnp.float32)] * (2 * NBUF)
            + [pltpu.SemaphoreType.DMA] * (2 * NBUF)
        ),
        compiler_params=pltpu.CompilerParams(
            use_tc_tiling_on_sc=True, needs_layout_passes=False
        ),
    )(_body)
    return run(z, permute.astype(jnp.int32))

# --- scband reference (transcript-rebuilt; emitter-appended) ---
"""Pipeline reference for scband-reverse-flow-75402445848670 (READ-ONLY COPY).

The authoritative reference and input builder live on the scoring server;
editing this copy changes nothing except your own understanding.
"""

import jax, jax.numpy as jnp
import numpy as np

DIM = 2048
ROWS = 16384

def setup_inputs(seed: int = 0) -> dict:
    key = jax.random.key(seed)
    z = jax.random.normal(key, (ROWS, DIM), dtype=jnp.float32)
    permute = jnp.arange(DIM - 1, -1, -1)
    return {"z": z, "permute": permute}

def reference(z, permute):
    # ReverseFlow._call: z[:, permute] -- gather along feature axis with the
    # reversal permutation (log_abs_det_jacobian is zero and not part of fwd).
    return jnp.take(z, permute, axis=1)

if __name__ == "__main__":
    import jax
    _d = setup_inputs()
    print(jax.jit(kernel)(*tuple(_d.values())))

</pallas_src>

<mosaic_0001>
#map = affine_map<(d0, d1) -> (0, 0)>
#map1 = affine_map<(d0, d1) -> (0)>
module attributes {stable_mosaic.version = 14 : i64} {
  func.func @_body(%arg0: i32, %arg1: i32, %arg2: memref<16384x2048xf32, #tpu.memory_space<hbm>>, %arg3: memref<2048xi32, #tpu.memory_space<hbm>>, %arg4: memref<16384x2048xf32, #tpu.memory_space<hbm>>, %arg5: memref<4x2048xf32, #tpu.memory_space<vmem>>, %arg6: memref<4x2048xf32, #tpu.memory_space<vmem>>, %arg7: memref<4x2048xf32, #tpu.memory_space<vmem>>, %arg8: memref<4x2048xf32, #tpu.memory_space<vmem>>, %arg9: memref<4x2048xf32, #tpu.memory_space<vmem>>, %arg10: memref<4x2048xf32, #tpu.memory_space<vmem>>, %arg11: memref<4x2048xf32, #tpu.memory_space<vmem>>, %arg12: memref<4x2048xf32, #tpu.memory_space<vmem>>, %arg13: memref<!tpu.dma_semaphore, #tpu.memory_space<semaphore_mem>>, %arg14: memref<!tpu.dma_semaphore, #tpu.memory_space<semaphore_mem>>, %arg15: memref<!tpu.dma_semaphore, #tpu.memory_space<semaphore_mem>>, %arg16: memref<!tpu.dma_semaphore, #tpu.memory_space<semaphore_mem>>, %arg17: memref<!tpu.dma_semaphore, #tpu.memory_space<semaphore_mem>>, %arg18: memref<!tpu.dma_semaphore, #tpu.memory_space<semaphore_mem>>, %arg19: memref<!tpu.dma_semaphore, #tpu.memory_space<semaphore_mem>>, %arg20: memref<!tpu.dma_semaphore, #tpu.memory_space<semaphore_mem>>) attributes {dimension_semantics = [#tpu.dimension_semantics<core_parallel>, #tpu.dimension_semantics<subcore_parallel>], iteration_bounds = array<i64: 2, 16>, scalar_prefetch = 0 : i64, scratch_operands = 16 : i64, tpu.core_type = #tpu.core_type<sc_vector_subcore>, window_params = [{transform_indices = #map}, {transform_indices = #map1}, {transform_indices = #map}]} {
    %mul3A = arith.constant 2 : i32
    %mul3A_0 = arith.muli %arg1, %mul3A : i32
    %add3A = arith.addi %mul3A_0, %arg0 : i32
    %mul3A_1 = arith.constant 512 : i32
    %mul3A_2 = arith.muli %add3A, %mul3A_1 : i32
    %add3A_3 = arith.constant 0 : i32
    %add3A_4 = arith.addi %mul3A_2, %add3A_3 : i32
    %dma_start3A = arith.constant 0 : i32
    %dma_start3A_5 = tpu.memref_slice %arg2[%add3A_4, %dma_start3A] : memref<16384x2048xf32, #tpu.memory_space<hbm>> -> memref<4x2048xf32, #tpu.memory_space<hbm>>
    %dma_start3A_6 = arith.constant 0 : i32
    %dma_start3A_7 = tpu.memref_slice %arg2[%add3A_4, %dma_start3A_6] : memref<16384x2048xf32, #tpu.memory_space<hbm>> -> memref<4x2048xf32, #tpu.memory_space<hbm>>
    tpu.enqueue_dma source(%dma_start3A_7 : memref<4x2048xf32, #tpu.memory_space<hbm>>) target(%arg5 : memref<4x2048xf32, #tpu.memory_space<vmem>>) target_semaphore(%arg13 : memref<!tpu.dma_semaphore, #tpu.memory_space<semaphore_mem>>)
    %add3A_8 = arith.constant 4 : i32
    %add3A_9 = arith.addi %mul3A_2, %add3A_8 : i32
    %dma_start3A_10 = arith.constant 0 : i32
    %dma_start3A_11 = tpu.memref_slice %arg2[%add3A_9, %dma_start3A_10] : memref<16384x2048xf32, #tpu.memory_space<hbm>> -> memref<4x2048xf32, #tpu.memory_space<hbm>>
    %dma_start3A_12 = arith.constant 0 : i32
    %dma_start3A_13 = tpu.memref_slice %arg2[%add3A_9, %dma_start3A_12] : memref<16384x2048xf32, #tpu.memory_space<hbm>> -> memref<4x2048xf32, #tpu.memory_space<hbm>>
    tpu.enqueue_dma source(%dma_start3A_13 : memref<4x2048xf32, #tpu.memory_space<hbm>>) target(%arg6 : memref<4x2048xf32, #tpu.memory_space<vmem>>) target_semaphore(%arg14 : memref<!tpu.dma_semaphore, #tpu.memory_space<semaphore_mem>>)
    %add3A_14 = arith.constant 8 : i32
    %add3A_15 = arith.addi %mul3A_2, %add3A_14 : i32
    %dma_start3A_16 = arith.constant 0 : i32
    %dma_start3A_17 = tpu.memref_slice %arg2[%add3A_15, %dma_start3A_16] : memref<16384x2048xf32, #tpu.memory_space<hbm>> -> memref<4x2048xf32, #tpu.memory_space<hbm>>
    %dma_start3A_18 = arith.constant 0 : i32
    %dma_start3A_19 = tpu.memref_slice %arg2[%add3A_15, %dma_start3A_18] : memref<16384x2048xf32, #tpu.memory_space<hbm>> -> memref<4x2048xf32, #tpu.memory_space<hbm>>
    tpu.enqueue_dma source(%dma_start3A_19 : memref<4x2048xf32, #tpu.memory_space<hbm>>) target(%arg7 : memref<4x2048xf32, #tpu.memory_space<vmem>>) target_semaphore(%arg15 : memref<!tpu.dma_semaphore, #tpu.memory_space<semaphore_mem>>)
    %add3A_20 = arith.constant 12 : i32
    %add3A_21 = arith.addi %mul3A_2, %add3A_20 : i32
    %dma_start3A_22 = arith.constant 0 : i32
    %dma_start3A_23 = tpu.memref_slice %arg2[%add3A_21, %dma_start3A_22] : memref<16384x2048xf32, #tpu.memory_space<hbm>> -> memref<4x2048xf32, #tpu.memory_space<hbm>>
    %dma_start3A_24 = arith.constant 0 : i32
    %dma_start3A_25 = tpu.memref_slice %arg2[%add3A_21, %dma_start3A_24] : memref<16384x2048xf32, #tpu.memory_space<hbm>> -> memref<4x2048xf32, #tpu.memory_space<hbm>>
    tpu.enqueue_dma source(%dma_start3A_25 : memref<4x2048xf32, #tpu.memory_space<hbm>>) target(%arg8 : memref<4x2048xf32, #tpu.memory_space<vmem>>) target_semaphore(%arg16 : memref<!tpu.dma_semaphore, #tpu.memory_space<semaphore_mem>>)
    %scan3A = arith.constant 0 : i32
    %scan3A_26 = arith.constant 0 : i32
    %scan3A_27 = arith.constant 32 : i32
    %scan3A_28 = arith.addi %scan3A_26, %scan3A_27 : i32
    %scan3A_29 = arith.constant 1 : i32
    scf.for %scan3A_46 = %scan3A_26 to %scan3A_28 step %scan3A_29  : i32 {
      %mul3A_47 = arith.constant 4 : i32
      %mul3A_48 = arith.muli %scan3A_46, %mul3A_47 : i32
      %add3A_49 = arith.constant 0 : i32
      %add3A_50 = arith.addi %mul3A_48, %add3A_49 : i32
      %dma_wait3A_51 = arith.constant 0 : i32
      %dma_wait3A_52 = tpu.memref_slice %arg2[%mul3A_2, %dma_wait3A_51] : memref<16384x2048xf32, #tpu.memory_space<hbm>> -> memref<4x2048xf32, #tpu.memory_space<hbm>>
      %dma_wait3A_53 = arith.constant 0 : i32
      %dma_wait3A_54 = tpu.memref_slice %arg2[%mul3A_2, %dma_wait3A_53] : memref<16384x2048xf32, #tpu.memory_space<hbm>> -> memref<4x2048xf32, #tpu.memory_space<hbm>>
      tpu.wait_dma2 semaphore(%arg13 : memref<!tpu.dma_semaphore, #tpu.memory_space<semaphore_mem>>) src(%dma_wait3A_54 : memref<4x2048xf32, #tpu.memory_space<hbm>>) dst(%arg5 : memref<4x2048xf32, #tpu.memory_space<vmem>>)
      %ge3A = arith.constant 4 : i32
      %ge3A_55 = arith.cmpi sge, %add3A_50, %ge3A : i32
      %convert_element_type3A = arith.extui %ge3A_55 : i1 to i32
      %cond3A = arith.constant 0 : i32
      %cond3A_56 = arith.cmpi ne, %convert_element_type3A, %cond3A : i32
      scf.if %cond3A_56 {
        %dma_wait3A_162 = arith.constant 0 : i32
        %dma_wait3A_163 = tpu.memref_slice %arg4[%mul3A_2, %dma_wait3A_162] : memref<16384x2048xf32, #tpu.memory_space<hbm>> -> memref<4x2048xf32, #tpu.memory_space<hbm>>
        %dma_wait3A_164 = arith.constant 0 : i32
        %dma_wait3A_165 = tpu.memref_slice %arg4[%mul3A_2, %dma_wait3A_164] : memref<16384x2048xf32, #tpu.memory_space<hbm>> -> memref<4x2048xf32, #tpu.memory_space<hbm>>
        tpu.wait_dma2 semaphore(%arg17 : memref<!tpu.dma_semaphore, #tpu.memory_space<semaphore_mem>>) src(%arg9 : memref<4x2048xf32, #tpu.memory_space<vmem>>) dst(%dma_wait3A_165 : memref<4x2048xf32, #tpu.memory_space<hbm>>)
      } else {
      }
      %parallel_loop3A = arith.constant 0 : i32
      %parallel_loop3A_57 = arith.constant 4 : i32
      %parallel_loop3A_58 = arith.constant 1 : i32
      scf.for %parallel_loop3A_162 = %parallel_loop3A to %parallel_loop3A_57 step %parallel_loop3A_58  : i32 {
        %parallel_loop3A_163 = arith.constant 0 : i32
        %parallel_loop3A_164 = arith.constant 128 : i32
        %parallel_loop3A_165 = arith.constant 1 : i32
        scf.for %parallel_loop3A_166 = %parallel_loop3A_163 to %parallel_loop3A_164 step %parallel_loop3A_165  : i32 {
          %parallel_loop3A_167 = arith.constant 127 : i32
          %parallel_loop3A_168 = arith.subi %parallel_loop3A_167, %parallel_loop3A_166 : i32
          %parallel_loop3A_169 = arith.constant 16 : i32
          %parallel_loop3A_170 = arith.muli %parallel_loop3A_168, %parallel_loop3A_169 : i32
          %parallel_loop3A_171 = arith.index_cast %parallel_loop3A_162 : i32 to index
          %parallel_loop3A_172 = arith.index_cast %parallel_loop3A_170 : i32 to index
          %parallel_loop3A_173 = tpu.vector_load %arg5[%parallel_loop3A_171, %parallel_loop3A_172] {strides = array<i32>} : memref<4x2048xf32, #tpu.memory_space<vmem>>, vector<16xf32>,
          %parallel_loop3A_174 = arith.constant 15 : i32
          %parallel_loop3A_175 = vector.broadcast %parallel_loop3A_174 : i32 to vector<16xi32>
          %parallel_loop3A_176 = tpu.iota {dimensions = array<i32: 0>} : vector<16xi32>
          %parallel_loop3A_177 = arith.subi %parallel_loop3A_175, %parallel_loop3A_176 : vector<16xi32>
          %parallel_loop3A_178 = tpu.dynamic_gather %parallel_loop3A_173[%parallel_loop3A_177] in [0] : vector<16xf32>, vector<16xi32> -> vector<16xf32>
          %parallel_loop3A_179 = arith.constant 16 : i32
          %parallel_loop3A_180 = arith.muli %parallel_loop3A_166, %parallel_loop3A_179 : i32
          %parallel_loop3A_181 = arith.index_cast %parallel_loop3A_162 : i32 to index
          %parallel_loop3A_182 = arith.index_cast %parallel_loop3A_180 : i32 to index
          %parallel_loop3A_183 = tpu.vector_load %arg9[%parallel_loop3A_181, %parallel_loop3A_182] {strides = array<i32>} : memref<4x2048xf32, #tpu.memory_space<vmem>>, vector<16xf32>,
          tpu.vector_store %arg9[%parallel_loop3A_181, %parallel_loop3A_182], %parallel_loop3A_178 {strides = array<i32>} : memref<4x2048xf32, #tpu.memory_space<vmem>>, vector<16xf32>,
        } {sc.loop_unroll_factor = 8 : i64, sc.parallel_access}
      } {sc.loop_unroll_factor = 1 : i64, sc.parallel_access}
      %mul3A_59 = arith.constant 4 : i32
      %mul3A_60 = arith.muli %add3A_50, %mul3A_59 : i32
      %add3A_61 = arith.addi %mul3A_2, %mul3A_60 : i32
      %dma_start3A_62 = arith.constant 0 : i32
      %dma_start3A_63 = tpu.memref_slice %arg4[%add3A_61, %dma_start3A_62] : memref<16384x2048xf32, #tpu.memory_space<hbm>> -> memref<4x2048xf32, #tpu.memory_space<hbm>>
      %dma_start3A_64 = arith.constant 0 : i32
      %dma_start3A_65 = tpu.memref_slice %arg4[%add3A_61, %dma_start3A_64] : memref<16384x2048xf32, #tpu.memory_space<hbm>> -> memref<4x2048xf32, #tpu.memory_space<hbm>>
      tpu.enqueue_dma source(%arg9 : memref<4x2048xf32, #tpu.memory_space<vmem>>) target(%dma_start3A_65 : memref<4x2048xf32, #tpu.memory_space<hbm>>) target_semaphore(%arg17 : memref<!tpu.dma_semaphore, #tpu.memory_space<semaphore_mem>>)
      %add3A_66 = arith.constant 4 : i32
      %add3A_67 = arith.addi %add3A_50, %add3A_66 : i32
      %lt3A = arith.constant 128 : i32
      %lt3A_68 = arith.cmpi slt, %add3A_67, %lt3A : i32
      %convert_element_type3A_69 = arith.extui %lt3A_68 : i1 to i32
      %cond3A_70 = arith.constant 0 : i32
      %cond3A_71 = arith.cmpi ne, %convert_element_type3A_69, %cond3A_70 : i32
      scf.if %cond3A_71 {
        %add3A_162 = arith.constant 4 : i32
        %add3A_163 = arith.addi %add3A_50, %add3A_162 : i32
        %mul3A_164 = arith.constant 4 : i32
        %mul3A_165 = arith.muli %add3A_163, %mul3A_164 : i32
        %add3A_166 = arith.addi %mul3A_2, %mul3A_165 : i32
        %dma_start3A_167 = arith.constant 0 : i32
        %dma_start3A_168 = tpu.memref_slice %arg2[%add3A_166, %dma_start3A_167] : memref<16384x2048xf32, #tpu.memory_space<hbm>> -> memref<4x2048xf32, #tpu.memory_space<hbm>>
        %dma_start3A_169 = arith.constant 0 : i32
        %dma_start3A_170 = tpu.memref_slice %arg2[%add3A_166, %dma_start3A_169] : memref<16384x2048xf32, #tpu.memory_space<hbm>> -> memref<4x2048xf32, #tpu.memory_space<hbm>>
        tpu.enqueue_dma source(%dma_start3A_170 : memref<4x2048xf32, #tpu.memory_space<hbm>>) target(%arg5 : memref<4x2048xf32, #tpu.memory_space<vmem>>) target_semaphore(%arg13 : memref<!tpu.dma_semaphore, #tpu.memory_space<semaphore_mem>>)
      } else {
      }
      %mul3A_72 = arith.constant 4 : i32
      %mul3A_73 = arith.muli %scan3A_46, %mul3A_72 : i32
      %add3A_74 = arith.constant 1 : i32
      %add3A_75 = arith.addi %mul3A_73, %add3A_74 : i32
      %dma_wait3A_76 = arith.constant 0 : i32
      %dma_wait3A_77 = tpu.memref_slice %arg2[%mul3A_2, %dma_wait3A_76] : memref<16384x2048xf32, #tpu.memory_space<hbm>> -> memref<4x2048xf32, #tpu.memory_space<hbm>>
      %dma_wait3A_78 = arith.constant 0 : i32
      %dma_wait3A_79 = tpu.memref_slice %arg2[%mul3A_2, %dma_wait3A_78] : memref<16384x2048xf32, #tpu.memory_space<hbm>> -> memref<4x2048xf32, #tpu.memory_space<hbm>>
      tpu.wait_dma2 semaphore(%arg14 : memref<!tpu.dma_semaphore, #tpu.memory_space<semaphore_mem>>) src(%dma_wait3A_79 : memref<4x2048xf32, #tpu.memory_space<hbm>>) dst(%arg6 : memref<4x2048xf32, #tpu.memory_space<vmem>>)
      %ge3A_80 = arith.constant 4 : i32
      %ge3A_81 = arith.cmpi sge, %add3A_75, %ge3A_80 : i32
      %convert_element_type3A_82 = arith.extui %ge3A_81 : i1 to i32
      %cond3A_83 = arith.constant 0 : i32
      %cond3A_84 = arith.cmpi ne, %convert_element_type3A_82, %cond3A_83 : i32
      scf.if %cond3A_84 {
        %dma_wait3A_162 = arith.constant 0 : i32
        %dma_wait3A_163 = tpu.memref_slice %arg4[%mul3A_2, %dma_wait3A_162] : memref<16384x2048xf32, #tpu.memory_space<hbm>> -> memref<4x2048xf32, #tpu.memory_space<hbm>>
        %dma_wait3A_164 = arith.constant 0 : i32
        %dma_wait3A_165 = tpu.memref_slice %arg4[%mul3A_2, %dma_wait3A_164] : memref<16384x2048xf32, #tpu.memory_space<hbm>> -> memref<4x2048xf32, #tpu.memory_space<hbm>>
        tpu.wait_dma2 semaphore(%arg18 : memref<!tpu.dma_semaphore, #tpu.memory_space<semaphore_mem>>) src(%arg10 : memref<4x2048xf32, #tpu.memory_space<vmem>>) dst(%dma_wait3A_165 : memref<4x2048xf32, #tpu.memory_space<hbm>>)
      } else {
      }
      %parallel_loop3A_85 = arith.constant 0 : i32
      %parallel_loop3A_86 = arith.constant 4 : i32
      %parallel_loop3A_87 = arith.constant 1 : i32
      scf.for %parallel_loop3A_162 = %parallel_loop3A_85 to %parallel_loop3A_86 step %parallel_loop3A_87  : i32 {
        %parallel_loop3A_163 = arith.constant 0 : i32
        %parallel_loop3A_164 = arith.constant 128 : i32
        %parallel_loop3A_165 = arith.constant 1 : i32
        scf.for %parallel_loop3A_166 = %parallel_loop3A_163 to %parallel_loop3A_164 step %parallel_loop3A_165  : i32 {
          %parallel_loop3A_167 = arith.constant 127 : i32
          %parallel_loop3A_168 = arith.subi %parallel_loop3A_167, %parallel_loop3A_166 : i32
          %parallel_loop3A_169 = arith.constant 16 : i32
          %parallel_loop3A_170 = arith.muli %parallel_loop3A_168, %parallel_loop3A_169 : i32
          %parallel_loop3A_171 = arith.index_cast %parallel_loop3A_162 : i32 to index
          %parallel_loop3A_172 = arith.index_cast %parallel_loop3A_170 : i32 to index
          %parallel_loop3A_173 = tpu.vector_load %arg6[%parallel_loop3A_171, %parallel_loop3A_172] {strides = array<i32>} : memref<4x2048xf32, #tpu.memory_space<vmem>>, vector<16xf32>,
          %parallel_loop3A_174 = arith.constant 15 : i32
          %parallel_loop3A_175 = vector.broadcast %parallel_loop3A_174 : i32 to vector<16xi32>
          %parallel_loop3A_176 = tpu.iota {dimensions = array<i32: 0>} : vector<16xi32>
          %parallel_loop3A_177 = arith.subi %parallel_loop3A_175, %parallel_loop3A_176 : vector<16xi32>
          %parallel_loop3A_178 = tpu.dynamic_gather %parallel_loop3A_173[%parallel_loop3A_177] in [0] : vector<16xf32>, vector<16xi32> -> vector<16xf32>
          %parallel_loop3A_179 = arith.constant 16 : i32
          %parallel_loop3A_180 = arith.muli %parallel_loop3A_166, %parallel_loop3A_179 : i32
          %parallel_loop3A_181 = arith.index_cast %parallel_loop3A_162 : i32 to index
          %parallel_loop3A_182 = arith.index_cast %parallel_loop3A_180 : i32 to index
          %parallel_loop3A_183 = tpu.vector_load %arg10[%parallel_loop3A_181, %parallel_loop3A_182] {strides = array<i32>} : memref<4x2048xf32, #tpu.memory_space<vmem>>, vector<16xf32>,
          tpu.vector_store %arg10[%parallel_loop3A_181, %parallel_loop3A_182], %parallel_loop3A_178 {strides = array<i32>} : memref<4x2048xf32, #tpu.memory_space<vmem>>, vector<16xf32>,
        } {sc.loop_unroll_factor = 8 : i64, sc.parallel_access}
      } {sc.loop_unroll_factor = 1 : i64, sc.parallel_access}
      %mul3A_88 = arith.constant 4 : i32
      %mul3A_89 = arith.muli %add3A_75, %mul3A_88 : i32
      %add3A_90 = arith.addi %mul3A_2, %mul3A_89 : i32
      %dma_start3A_91 = arith.constant 0 : i32
      %dma_start3A_92 = tpu.memref_slice %arg4[%add3A_90, %dma_start3A_91] : memref<16384x2048xf32, #tpu.memory_space<hbm>> -> memref<4x2048xf32, #tpu.memory_space<hbm>>
      %dma_start3A_93 = arith.constant 0 : i32
      %dma_start3A_94 = tpu.memref_slice %arg4[%add3A_90, %dma_start3A_93] : memref<16384x2048xf32, #tpu.memory_space<hbm>> -> memref<4x2048xf32, #tpu.memory_space<hbm>>
      tpu.enqueue_dma source(%arg10 : memref<4x2048xf32, #tpu.memory_space<vmem>>) target(%dma_start3A_94 : memref<4x2048xf32, #tpu.memory_space<hbm>>) target_semaphore(%arg18 : memref<!tpu.dma_semaphore, #tpu.memory_space<semaphore_mem>>)
      %add3A_95 = arith.constant 4 : i32
      %add3A_96 = arith.addi %add3A_75, %add3A_95 : i32
      %lt3A_97 = arith.constant 128 : i32
      %lt3A_98 = arith.cmpi slt, %add3A_96, %lt3A_97 : i32
      %convert_element_type3A_99 = arith.extui %lt3A_98 : i1 to i32
      %cond3A_100 = arith.constant 0 : i32
      %cond3A_101 = arith.cmpi ne, %convert_element_type3A_99, %cond3A_100 : i32
      scf.if %cond3A_101 {
        %add3A_162 = arith.constant 4 : i32
        %add3A_163 = arith.addi %add3A_75, %add3A_162 : i32
        %mul3A_164 = arith.constant 4 : i32
        %mul3A_165 = arith.muli %add3A_163, %mul3A_164 : i32
        %add3A_166 = arith.addi %mul3A_2, %mul3A_165 : i32
        %dma_start3A_167 = arith.constant 0 : i32
        %dma_start3A_168 = tpu.memref_slice %arg2[%add3A_166, %dma_start3A_167] : memref<16384x2048xf32, #tpu.memory_space<hbm>> -> memref<4x2048xf32, #tpu.memory_space<hbm>>
        %dma_start3A_169 = arith.constant 0 : i32
        %dma_start3A_170 = tpu.memref_slice %arg2[%add3A_166, %dma_start3A_169] : memref<16384x2048xf32, #tpu.memory_space<hbm>> -> memref<4x2048xf32, #tpu.memory_space<hbm>>
        tpu.enqueue_dma source(%dma_start3A_170 : memref<4x2048xf32, #tpu.memory_space<hbm>>) target(%arg6 : memref<4x2048xf32, #tpu.memory_space<vmem>>) target_semaphore(%arg14 : memref<!tpu.dma_semaphore, #tpu.memory_space<semaphore_mem>>)
      } else {
      }
      %mul3A_102 = arith.constant 4 : i32
      %mul3A_103 = arith.muli %scan3A_46, %mul3A_102 : i32
      %add3A_104 = arith.constant 2 : i32
      %add3A_105 = arith.addi %mul3A_103, %add3A_104 : i32
      %dma_wait3A_106 = arith.constant 0 : i32
      %dma_wait3A_107 = tpu.memref_slice %arg2[%mul3A_2, %dma_wait3A_106] : memref<16384x2048xf32, #tpu.memory_space<hbm>> -> memref<4x2048xf32, #tpu.memory_space<hbm>>
      %dma_wait3A_108 = arith.constant 0 : i32
      %dma_wait3A_109 = tpu.memref_slice %arg2[%mul3A_2, %dma_wait3A_108] : memref<16384x2048xf32, #tpu.memory_space<hbm>> -> memref<4x2048xf32, #tpu.memory_space<hbm>>
      tpu.wait_dma2 semaphore(%arg15 : memref<!tpu.dma_semaphore, #tpu.memory_space<semaphore_mem>>) src(%dma_wait3A_109 : memref<4x2048xf32, #tpu.memory_space<hbm>>) dst(%arg7 : memref<4x2048xf32, #tpu.memory_space<vmem>>)
      %ge3A_110 = arith.constant 4 : i32
      %ge3A_111 = arith.cmpi sge, %add3A_105, %ge3A_110 : i32
      %convert_element_type3A_112 = arith.extui %ge3A_111 : i1 to i32
      %cond3A_113 = arith.constant 0 : i32
      %cond3A_114 = arith.cmpi ne, %convert_element_type3A_112, %cond3A_113 : i32
      scf.if %cond3A_114 {
        %dma_wait3A_162 = arith.constant 0 : i32
        %dma_wait3A_163 = tpu.memref_slice %arg4[%mul3A_2, %dma_wait3A_162] : memref<16384x2048xf32, #tpu.memory_space<hbm>> -> memref<4x2048xf32, #tpu.memory_space<hbm>>
        %dma_wait3A_164 = arith.constant 0 : i32
        %dma_wait3A_165 = tpu.memref_slice %arg4[%mul3A_2, %dma_wait3A_164] : memref<16384x2048xf32, #tpu.memory_space<hbm>> -> memref<4x2048xf32, #tpu.memory_space<hbm>>
        tpu.wait_dma2 semaphore(%arg19 : memref<!tpu.dma_semaphore, #tpu.memory_space<semaphore_mem>>) src(%arg11 : memref<4x2048xf32, #tpu.memory_space<vmem>>) dst(%dma_wait3A_165 : memref<4x2048xf32, #tpu.memory_space<hbm>>)
      } else {
      }
      %parallel_loop3A_115 = arith.constant 0 : i32
      %parallel_loop3A_116 = arith.constant 4 : i32
      %parallel_loop3A_117 = arith.constant 1 : i32
      scf.for %parallel_loop3A_162 = %parallel_loop3A_115 to %parallel_loop3A_116 step %parallel_loop3A_117  : i32 {
        %parallel_loop3A_163 = arith.constant 0 : i32
        %parallel_loop3A_164 = arith.constant 128 : i32
        %parallel_loop3A_165 = arith.constant 1 : i32
        scf.for %parallel_loop3A_166 = %parallel_loop3A_163 to %parallel_loop3A_164 step %parallel_loop3A_165  : i32 {
          %parallel_loop3A_167 = arith.constant 127 : i32
          %parallel_loop3A_168 = arith.subi %parallel_loop3A_167, %parallel_loop3A_166 : i32
          %parallel_loop3A_169 = arith.constant 16 : i32
          %parallel_loop3A_170 = arith.muli %parallel_loop3A_168, %parallel_loop3A_169 : i32
          %parallel_loop3A_171 = arith.index_cast %parallel_loop3A_162 : i32 to index
          %parallel_loop3A_172 = arith.index_cast %parallel_loop3A_170 : i32 to index
          %parallel_loop3A_173 = tpu.vector_load %arg7[%parallel_loop3A_171, %parallel_loop3A_172] {strides = array<i32>} : memref<4x2048xf32, #tpu.memory_space<vmem>>, vector<16xf32>,
          %parallel_loop3A_174 = arith.constant 15 : i32
          %parallel_loop3A_175 = vector.broadcast %parallel_loop3A_174 : i32 to vector<16xi32>
          %parallel_loop3A_176 = tpu.iota {dimensions = array<i32: 0>} : vector<16xi32>
          %parallel_loop3A_177 = arith.subi %parallel_loop3A_175, %parallel_loop3A_176 : vector<16xi32>
          %parallel_loop3A_178 = tpu.dynamic_gather %parallel_loop3A_173[%parallel_loop3A_177] in [0] : vector<16xf32>, vector<16xi32> -> vector<16xf32>
          %parallel_loop3A_179 = arith.constant 16 : i32
          %parallel_loop3A_180 = arith.muli %parallel_loop3A_166, %parallel_loop3A_179 : i32
          %parallel_loop3A_181 = arith.index_cast %parallel_loop3A_162 : i32 to index
          %parallel_loop3A_182 = arith.index_cast %parallel_loop3A_180 : i32 to index
          %parallel_loop3A_183 = tpu.vector_load %arg11[%parallel_loop3A_181, %parallel_loop3A_182] {strides = array<i32>} : memref<4x2048xf32, #tpu.memory_space<vmem>>, vector<16xf32>,
          tpu.vector_store %arg11[%parallel_loop3A_181, %parallel_loop3A_182], %parallel_loop3A_178 {strides = array<i32>} : memref<4x2048xf32, #tpu.memory_space<vmem>>, vector<16xf32>,
        } {sc.loop_unroll_factor = 8 : i64, sc.parallel_access}
      } {sc.loop_unroll_factor = 1 : i64, sc.parallel_access}
      %mul3A_118 = arith.constant 4 : i32
      %mul3A_119 = arith.muli %add3A_105, %mul3A_118 : i32
      %add3A_120 = arith.addi %mul3A_2, %mul3A_119 : i32
      %dma_start3A_121 = arith.constant 0 : i32
      %dma_start3A_122 = tpu.memref_slice %arg4[%add3A_120, %dma_start3A_121] : memref<16384x2048xf32, #tpu.memory_space<hbm>> -> memref<4x2048xf32, #tpu.memory_space<hbm>>
      %dma_start3A_123 = arith.constant 0 : i32
      %dma_start3A_124 = tpu.memref_slice %arg4[%add3A_120, %dma_start3A_123] : memref<16384x2048xf32, #tpu.memory_space<hbm>> -> memref<4x2048xf32, #tpu.memory_space<hbm>>
      tpu.enqueue_dma source(%arg11 : memref<4x2048xf32, #tpu.memory_space<vmem>>) target(%dma_start3A_124 : memref<4x2048xf32, #tpu.memory_space<hbm>>) target_semaphore(%arg19 : memref<!tpu.dma_semaphore, #tpu.memory_space<semaphore_mem>>)
      %add3A_125 = arith.constant 4 : i32
      %add3A_126 = arith.addi %add3A_105, %add3A_125 : i32
      %lt3A_127 = arith.constant 128 : i32
      %lt3A_128 = arith.cmpi slt, %add3A_126, %lt3A_127 : i32
      %convert_element_type3A_129 = arith.extui %lt3A_128 : i1 to i32
      %cond3A_130 = arith.constant 0 : i32
      %cond3A_131 = arith.cmpi ne, %convert_element_type3A_129, %cond3A_130 : i32
      scf.if %cond3A_131 {
        %add3A_162 = arith.constant 4 : i32
        %add3A_163 = arith.addi %add3A_105, %add3A_162 : i32
        %mul3A_164 = arith.constant 4 : i32
        %mul3A_165 = arith.muli %add3A_163, %mul3A_164 : i32
        %add3A_166 = arith.addi %mul3A_2, %mul3A_165 : i32
        %dma_start3A_167 = arith.constant 0 : i32
        %dma_start3A_168 = tpu.memref_slice %arg2[%add3A_166, %dma_start3A_167] : memref<16384x2048xf32, #tpu.memory_space<hbm>> -> memref<4x2048xf32, #tpu.memory_space<hbm>>
        %dma_start3A_169 = arith.constant 0 : i32
        %dma_start3A_170 = tpu.memref_slice %arg2[%add3A_166, %dma_start3A_169] : memref<16384x2048xf32, #tpu.memory_space<hbm>> -> memref<4x2048xf32, #tpu.memory_space<hbm>>
        tpu.enqueue_dma source(%dma_start3A_170 : memref<4x2048xf32, #tpu.memory_space<hbm>>) target(%arg7 : memref<4x2048xf32, #tpu.memory_space<vmem>>) target_semaphore(%arg15 : memref<!tpu.dma_semaphore, #tpu.memory_space<semaphore_mem>>)
      } else {
      }
      %mul3A_132 = arith.constant 4 : i32
      %mul3A_133 = arith.muli %scan3A_46, %mul3A_132 : i32
      %add3A_134 = arith.constant 3 : i32
      %add3A_135 = arith.addi %mul3A_133, %add3A_134 : i32
      %dma_wait3A_136 = arith.constant 0 : i32
      %dma_wait3A_137 = tpu.memref_slice %arg2[%mul3A_2, %dma_wait3A_136] : memref<16384x2048xf32, #tpu.memory_space<hbm>> -> memref<4x2048xf32, #tpu.memory_space<hbm>>
      %dma_wait3A_138 = arith.constant 0 : i32
      %dma_wait3A_139 = tpu.memref_slice %arg2[%mul3A_2, %dma_wait3A_138] : memref<16384x2048xf32, #tpu.memory_space<hbm>> -> memref<4x2048xf32, #tpu.memory_space<hbm>>
      tpu.wait_dma2 semaphore(%arg16 : memref<!tpu.dma_semaphore, #tpu.memory_space<semaphore_mem>>) src(%dma_wait3A_139 : memref<4x2048xf32, #tpu.memory_space<hbm>>) dst(%arg8 : memref<4x2048xf32, #tpu.memory_space<vmem>>)
      %ge3A_140 = arith.constant 4 : i32
      %ge3A_141 = arith.cmpi sge, %add3A_135, %ge3A_140 : i32
      %convert_element_type3A_142 = arith.extui %ge3A_141 : i1 to i32
      %cond3A_143 = arith.constant 0 : i32
      %cond3A_144 = arith.cmpi ne, %convert_element_type3A_142, %cond3A_143 : i32
      scf.if %cond3A_144 {
        %dma_wait3A_162 = arith.constant 0 : i32
        %dma_wait3A_163 = tpu.memref_slice %arg4[%mul3A_2, %dma_wait3A_162] : memref<16384x2048xf32, #tpu.memory_space<hbm>> -> memref<4x2048xf32, #tpu.memory_space<hbm>>
        %dma_wait3A_164 = arith.constant 0 : i32
        %dma_wait3A_165 = tpu.memref_slice %arg4[%mul3A_2, %dma_wait3A_164] : memref<16384x2048xf32, #tpu.memory_space<hbm>> -> memref<4x2048xf32, #tpu.memory_space<hbm>>
        tpu.wait_dma2 semaphore(%arg20 : memref<!tpu.dma_semaphore, #tpu.memory_space<semaphore_mem>>) src(%arg12 : memref<4x2048xf32, #tpu.memory_space<vmem>>) dst(%dma_wait3A_165 : memref<4x2048xf32, #tpu.memory_space<hbm>>)
      } else {
      }
      %parallel_loop3A_145 = arith.constant 0 : i32
      %parallel_loop3A_146 = arith.constant 4 : i32
      %parallel_loop3A_147 = arith.constant 1 : i32
      scf.for %parallel_loop3A_162 = %parallel_loop3A_145 to %parallel_loop3A_146 step %parallel_loop3A_147  : i32 {
        %parallel_loop3A_163 = arith.constant 0 : i32
        %parallel_loop3A_164 = arith.constant 128 : i32
        %parallel_loop3A_165 = arith.constant 1 : i32
        scf.for %parallel_loop3A_166 = %parallel_loop3A_163 to %parallel_loop3A_164 step %parallel_loop3A_165  : i32 {
          %parallel_loop3A_167 = arith.constant 127 : i32
          %parallel_loop3A_168 = arith.subi %parallel_loop3A_167, %parallel_loop3A_166 : i32
          %parallel_loop3A_169 = arith.constant 16 : i32
          %parallel_loop3A_170 = arith.muli %parallel_loop3A_168, %parallel_loop3A_169 : i32
          %parallel_loop3A_171 = arith.index_cast %parallel_loop3A_162 : i32 to index
          %parallel_loop3A_172 = arith.index_cast %parallel_loop3A_170 : i32 to index
          %parallel_loop3A_173 = tpu.vector_load %arg8[%parallel_loop3A_171, %parallel_loop3A_172] {strides = array<i32>} : memref<4x2048xf32, #tpu.memory_space<vmem>>, vector<16xf32>,
          %parallel_loop3A_174 = arith.constant 15 : i32
          %parallel_loop3A_175 = vector.broadcast %parallel_loop3A_174 : i32 to vector<16xi32>
          %parallel_loop3A_176 = tpu.iota {dimensions = array<i32: 0>} : vector<16xi32>
          %parallel_loop3A_177 = arith.subi %parallel_loop3A_175, %parallel_loop3A_176 : vector<16xi32>
          %parallel_loop3A_178 = tpu.dynamic_gather %parallel_loop3A_173[%parallel_loop3A_177] in [0] : vector<16xf32>, vector<16xi32> -> vector<16xf32>
          %parallel_loop3A_179 = arith.constant 16 : i32
          %parallel_loop3A_180 = arith.muli %parallel_loop3A_166, %parallel_loop3A_179 : i32
          %parallel_loop3A_181 = arith.index_cast %parallel_loop3A_162 : i32 to index
          %parallel_loop3A_182 = arith.index_cast %parallel_loop3A_180 : i32 to index
          %parallel_loop3A_183 = tpu.vector_load %arg12[%parallel_loop3A_181, %parallel_loop3A_182] {strides = array<i32>} : memref<4x2048xf32, #tpu.memory_space<vmem>>, vector<16xf32>,
          tpu.vector_store %arg12[%parallel_loop3A_181, %parallel_loop3A_182], %parallel_loop3A_178 {strides = array<i32>} : memref<4x2048xf32, #tpu.memory_space<vmem>>, vector<16xf32>,
        } {sc.loop_unroll_factor = 8 : i64, sc.parallel_access}
      } {sc.loop_unroll_factor = 1 : i64, sc.parallel_access}
      %mul3A_148 = arith.constant 4 : i32
      %mul3A_149 = arith.muli %add3A_135, %mul3A_148 : i32
      %add3A_150 = arith.addi %mul3A_2, %mul3A_149 : i32
      %dma_start3A_151 = arith.constant 0 : i32
      %dma_start3A_152 = tpu.memref_slice %arg4[%add3A_150, %dma_start3A_151] : memref<16384x2048xf32, #tpu.memory_space<hbm>> -> memref<4x2048xf32, #tpu.memory_space<hbm>>
      %dma_start3A_153 = arith.constant 0 : i32
      %dma_start3A_154 = tpu.memref_slice %arg4[%add3A_150, %dma_start3A_153] : memref<16384x2048xf32, #tpu.memory_space<hbm>> -> memref<4x2048xf32, #tpu.memory_space<hbm>>
      tpu.enqueue_dma source(%arg12 : memref<4x2048xf32, #tpu.memory_space<vmem>>) target(%dma_start3A_154 : memref<4x2048xf32, #tpu.memory_space<hbm>>) target_semaphore(%arg20 : memref<!tpu.dma_semaphore, #tpu.memory_space<semaphore_mem>>)
      %add3A_155 = arith.constant 4 : i32
      %add3A_156 = arith.addi %add3A_135, %add3A_155 : i32
      %lt3A_157 = arith.constant 128 : i32
      %lt3A_158 = arith.cmpi slt, %add3A_156, %lt3A_157 : i32
      %convert_element_type3A_159 = arith.extui %lt3A_158 : i1 to i32
      %cond3A_160 = arith.constant 0 : i32
      %cond3A_161 = arith.cmpi ne, %convert_element_type3A_159, %cond3A_160 : i32
      scf.if %cond3A_161 {
        %add3A_162 = arith.constant 4 : i32
        %add3A_163 = arith.addi %add3A_135, %add3A_162 : i32
        %mul3A_164 = arith.constant 4 : i32
        %mul3A_165 = arith.muli %add3A_163, %mul3A_164 : i32
        %add3A_166 = arith.addi %mul3A_2, %mul3A_165 : i32
        %dma_start3A_167 = arith.constant 0 : i32
        %dma_start3A_168 = tpu.memref_slice %arg2[%add3A_166, %dma_start3A_167] : memref<16384x2048xf32, #tpu.memory_space<hbm>> -> memref<4x2048xf32, #tpu.memory_space<hbm>>
        %dma_start3A_169 = arith.constant 0 : i32
        %dma_start3A_170 = tpu.memref_slice %arg2[%add3A_166, %dma_start3A_169] : memref<16384x2048xf32, #tpu.memory_space<hbm>> -> memref<4x2048xf32, #tpu.memory_space<hbm>>
        tpu.enqueue_dma source(%dma_start3A_170 : memref<4x2048xf32, #tpu.memory_space<hbm>>) target(%arg8 : memref<4x2048xf32, #tpu.memory_space<vmem>>) target_semaphore(%arg16 : memref<!tpu.dma_semaphore, #tpu.memory_space<semaphore_mem>>)
      } else {
      }
    }
    %scan3A_30 = arith.constant 32 : i32
    %dma_wait3A = arith.constant 0 : i32
    %dma_wait3A_31 = tpu.memref_slice %arg4[%mul3A_2, %dma_wait3A] : memref<16384x2048xf32, #tpu.memory_space<hbm>> -> memref<4x2048xf32, #tpu.memory_space<hbm>>
    %dma_wait3A_32 = arith.constant 0 : i32
    %dma_wait3A_33 = tpu.memref_slice %arg4[%mul3A_2, %dma_wait3A_32] : memref<16384x2048xf32, #tpu.memory_space<hbm>> -> memref<4x2048xf32, #tpu.memory_space<hbm>>
    tpu.wait_dma2 semaphore(%arg17 : memref<!tpu.dma_semaphore, #tpu.memory_space<semaphore_mem>>) src(%arg9 : memref<4x2048xf32, #tpu.memory_space<vmem>>) dst(%dma_wait3A_33 : memref<4x2048xf32, #tpu.memory_space<hbm>>)
    %dma_wait3A_34 = arith.constant 0 : i32
    %dma_wait3A_35 = tpu.memref_slice %arg4[%mul3A_2, %dma_wait3A_34] : memref<16384x2048xf32, #tpu.memory_space<hbm>> -> memref<4x2048xf32, #tpu.memory_space<hbm>>
    %dma_wait3A_36 = arith.constant 0 : i32
    %dma_wait3A_37 = tpu.memref_slice %arg4[%mul3A_2, %dma_wait3A_36] : memref<16384x2048xf32, #tpu.memory_space<hbm>> -> memref<4x2048xf32, #tpu.memory_space<hbm>>
    tpu.wait_dma2 semaphore(%arg18 : memref<!tpu.dma_semaphore, #tpu.memory_space<semaphore_mem>>) src(%arg10 : memref<4x2048xf32, #tpu.memory_space<vmem>>) dst(%dma_wait3A_37 : memref<4x2048xf32, #tpu.memory_space<hbm>>)
    %dma_wait3A_38 = arith.constant 0 : i32
    %dma_wait3A_39 = tpu.memref_slice %arg4[%mul3A_2, %dma_wait3A_38] : memref<16384x2048xf32, #tpu.memory_space<hbm>> -> memref<4x2048xf32, #tpu.memory_space<hbm>>
    %dma_wait3A_40 = arith.constant 0 : i32
    %dma_wait3A_41 = tpu.memref_slice %arg4[%mul3A_2, %dma_wait3A_40] : memref<16384x2048xf32, #tpu.memory_space<hbm>> -> memref<4x2048xf32, #tpu.memory_space<hbm>>
    tpu.wait_dma2 semaphore(%arg19 : memref<!tpu.dma_semaphore, #tpu.memory_space<semaphore_mem>>) src(%arg11 : memref<4x2048xf32, #tpu.memory_space<vmem>>) dst(%dma_wait3A_41 : memref<4x2048xf32, #tpu.memory_space<hbm>>)
    %dma_wait3A_42 = arith.constant 0 : i32
    %dma_wait3A_43 = tpu.memref_slice %arg4[%mul3A_2, %dma_wait3A_42] : memref<16384x2048xf32, #tpu.memory_space<hbm>> -> memref<4x2048xf32, #tpu.memory_space<hbm>>
    %dma_wait3A_44 = arith.constant 0 : i32
    %dma_wait3A_45 = tpu.memref_slice %arg4[%mul3A_2, %dma_wait3A_44] : memref<16384x2048xf32, #tpu.memory_space<hbm>> -> memref<4x2048xf32, #tpu.memory_space<hbm>>
    tpu.wait_dma2 semaphore(%arg20 : memref<!tpu.dma_semaphore, #tpu.memory_space<semaphore_mem>>) src(%arg12 : memref<4x2048xf32, #tpu.memory_space<vmem>>) dst(%dma_wait3A_45 : memref<4x2048xf32, #tpu.memory_space<hbm>>)
    return
  }
}

</mosaic_0001>

<sc_bundles>
// kernel: kernel.3.cloned.1.call-start
scs
__scs_entry_jumppad:
0x0: {  	(pc) =	sbr.rel $0x88, $3  }
0x1: {  	(tag) =	ssettag $0x0;
	lr =	simm.s32 $0x1  }
0x2: {  	[smem:$0x3F9F] =	sst lr;
	_ =	strace $0xD0000000  }
0x3: {  	_ = 	snop  }
0x4: {  	_ = 	snop  }
0x5: {  	_ = 	snop  }
0x6: {  	_ = 	snop  }
0x7: {  	_ = 	snop  }
__scs_overlays_trampoline_lowered:
0x8: {  	[smem:$0x3FAE] =	sst s0  }
0x9: {  	[smem:$0x3FAF] =	sst s1  }
0xa: {  	[smem:$0x3FB0] =	sst s2  }
0xb: {  	[smem:$0x3FB1] =	sst s3  }
0xc: {  	[smem:$0x3FB2] =	sst s4  }
0xd: {  	[smem:$0x3FB3] =	sst s5  }
0xe: {  	[smem:$0x3FB4] =	sst s6  }
0xf: {  	[smem:$0x3FB5] =	sst s7  }
0x10: {  	[smem:$0x3FB6] =	sst s8  }
0x11: {  	[smem:$0x3FB7] =	sst s9;
	s0 =	simm.s32 @!p0 $0x0  }
0x12: {  	s1 =	sld [smem:$0x3F9D];
	s0 =	simm.s32 @p0 $0x1  }
0x13: {  	[smem:$0x3FB8] =	sst s0;
	s0 =	simm.s32 @!p1 $0x0  }
0x14: {  	s2 =	sld [smem:$0x3F9C];
	s0 =	simm.s32 @p1 $0x1  }
0x15: {  	[smem:$0x3FB9] =	sst s0;
	s0 =	simm.s32 @!p2 $0x0  }
0x16: {  	s3 =	sld [smem:$0x3FDB];
	s0 =	simm.s32 @p2 $0x1  }
0x17: {  	s4 =	simm.s32 $0x1BF5;
	[smem:$0x3FBB] =	sst s0  }
0x18: {  	s0 =	sld [smem:$0x3F9E];
	_ =	swait.ge [sflag:s4], $0x0  }
0x19: {  	s7 =	sld [smem:$0x3F9F]  }
0x1a: {  	s8 =	sadd.s32 $0xFFFFE003, lr  }
0x1b: {  	s9 =	sadd.s32 $0xFFFFFEF7, lr;
	s5 =	simm.s32 $0xFFFFFFFF;
	p2 =	slt.u32 s8, $0xFFFFF086  }
0x1c: {  	p1 =	slt.u32 s9, $0xF7A;
	s5 =	simm.s32 @!p2 $0x0  }
0x1d: {  	s5 =	simm.s32 @p1 $0x1;
	p0 =	seq.s32 s7, s2  }
0x1e: {  	s7 =	smul.u32 @!p0 $0xF7A, s2;
	p2 =	seq.s32 @!p0 s5, $0x0  }
0x1f: {  	s9 =	smul.u32 $0xF7A, s1;
	s8 =	simm.s32 @!p0 $0x1BF5;
	p2 =	por !p2, p0  }
0x20: {  	[sflag:s8] =	ssyncset.s32 @!p0 $0xFFFFF086;
	s6 =	sadd.s32 @!p0 s3, s7;
	s7 =	simm.s32 @!p0 $0x108  }
0x21: {  	s3 =	sadd.s32 s3, s9;
	s6 =	sadd.s32 @!p0 $0x88, s6;
	s7 =	simm.s32 @p2 $0x1082  }
0x22: {  	[simem:s7], [sflag:s8] =	dma.local @!p0 [hbm:s6], $0xF7A  }
0x23: {  	s9 =	sor.u32 $0xD0000000, s2;
	s6 =	simm.s32 $0x108;
	_ =	swait.ge @!p0 [sflag:s8], $0x0  }
0x24: {  	s3 =	sadd.s32 $0x88, s3;
	s6 =	simm.s32 @!p1 $0x1082;
	[sflag:s4] =	ssyncset.s32 $0xFFFFF086  }
0x25: {  	[simem:s6], [sflag:s4] =	dma.local [hbm:s3], $0xF7A  }
0x26: {  	[smem:$0x3F9F] =	sst s1;
	(tag) =	ssettag s2;
	_ =	strace s9  }
0x27: {  	s1 =	sld [smem:$0x3FAF]  }
0x28: {  	s2 =	sld [smem:$0x3FB0]  }
0x29: {  	s4 =	sld [smem:$0x3FB2]  }
0x2a: {  	p0 =	seq.s32 s5, $0x0;
	s5 =	sld [smem:$0x3FB3]  }
0x2b: {  	s6 =	sld [smem:$0x3FB4]  }
0x2c: {  	s7 =	sld [smem:$0x3FB5]  }
0x2d: {  	s3 =	simm.s32 $0x108;
	s8 =	sld [smem:$0x3FB6]  }
0x2e: {  	s3 =	simm.s32 @!p0 $0x1082;
	s9 =	sld [smem:$0x3FB7]  }
0x2f: {  	lr =	sadd.s32 s0, s3;
	s0 =	sld [smem:$0x3FAE]  }
0x30: {  	s3 =	sld [smem:$0x3FB1]  }
0x31: {  	[smem:$0x3FBA] =	sst s10  }
0x32: {  	s10 =	sld [smem:$0x3FB8];
	_ =	sdelay $0x3  }
0x33: {  	p0 =	seq.s32 s10, $0x1;
	s10 =	sld [smem:$0x3FBA];
	_ =	sdelay $0x3  }
0x34: {  	[smem:$0x3FBA] =	sst s10  }
0x35: {  	s10 =	sld [smem:$0x3FB9];
	_ =	sdelay $0x3  }
0x36: {  	p1 =	seq.s32 s10, $0x1;
	s10 =	sld [smem:$0x3FBA];
	_ =	sdelay $0x3  }
0x37: {  	[smem:$0x3FBA] =	sst s10  }
0x38: {  	s10 =	sld [smem:$0x3FBB]  }
0x39: {  	_ = 	snop;
	(pc) =	sbr.ind lr, $3  }
0x3a: {  	_ = 	snop  }
0x3b: {  	_ = 	snop  }
0x3c: {  	p2 =	seq.s32 s10, $0x1;
	s10 =	sld [smem:$0x3FBA]  }
0x3d: {  	_ =	shalt  }
0x3e: {  	_ =	shalt  }
0x3f: {  	_ =	shalt  }
0x40: {  	_ =	shalt  }
0x41: {  	_ =	shalt  }
0x42: {  	_ =	shalt  }
0x43: {  	_ =	shalt  }
0x44: {  	_ =	shalt  }
0x45: {  	_ =	shalt  }
0x46: {  	_ =	shalt  }
0x47: {  	_ =	shalt  }
0x48: {  	_ =	shalt  }
0x49: {  	_ =	shalt  }
0x4a: {  	_ =	shalt  }
0x4b: {  	_ =	shalt  }
0x4c: {  	_ =	shalt  }
0x4d: {  	_ =	shalt  }
0x4e: {  	_ =	shalt  }
0x4f: {  	_ =	shalt  }
0x50: {  	_ =	shalt  }
0x51: {  	_ =	shalt  }
0x52: {  	_ =	shalt  }
0x53: {  	_ =	shalt  }
0x54: {  	_ =	shalt  }
0x55: {  	_ =	shalt  }
0x56: {  	_ =	shalt  }
0x57: {  	_ =	shalt  }
0x58: {  	_ =	shalt  }
0x59: {  	_ =	shalt  }
0x5a: {  	_ =	shalt  }
0x5b: {  	_ =	shalt  }
0x5c: {  	_ =	shalt  }
0x5d: {  	_ =	shalt  }
0x5e: {  	_ =	shalt  }
0x5f: {  	_ =	shalt  }
0x60: {  	_ =	shalt  }
0x61: {  	_ =	shalt  }
0x62: {  	_ =	shalt  }
0x63: {  	_ =	shalt  }
0x64: {  	_ =	shalt  }
0x65: {  	_ =	shalt  }
0x66: {  	_ =	shalt  }
0x67: {  	_ =	shalt  }
0x68: {  	_ =	shalt  }
0x69: {  	_ =	shalt  }
0x6a: {  	_ =	shalt  }
0x6b: {  	_ =	shalt  }
0x6c: {  	_ =	shalt  }
0x6d: {  	_ =	shalt  }
0x6e: {  	_ =	shalt  }
0x6f: {  	_ =	shalt  }
0x70: {  	_ =	shalt  }
0x71: {  	_ =	shalt  }
0x72: {  	_ =	shalt  }
0x73: {  	_ =	shalt  }
0x74: {  	_ =	shalt  }
0x75: {  	_ =	shalt  }
0x76: {  	_ =	shalt  }
0x77: {  	_ =	shalt  }
0x78: {  	_ =	shalt  }
0x79: {  	_ =	shalt  }
0x7a: {  	_ =	shalt  }
0x7b: {  	_ =	shalt  }
0x7c: {  	_ =	shalt  }
0x7d: {  	_ =	shalt  }
0x7e: {  	_ =	shalt  }
0x7f: {  	_ =	shalt  }
0x80: {  	_ =	shalt  }
0x81: {  	_ =	shalt  }
0x82: {  	_ =	shalt  }
0x83: {  	_ =	shalt  }
0x84: {  	_ =	shalt  }
0x85: {  	_ =	shalt  }
0x86: {  	_ =	shalt  }
0x87: {  	_ =	shalt  }
.Lfunc_end0:
.L_simem_size_0:
called_computation_lowered:
.L_overlay_start_0:
0x88: {  	s2 =	sld [smem:$0x3FD9]  }
0x89: {  	s3 =	sld [smem:$0x3FFE];
	_ =	sdelay $0x1  }
0x8a: {  	s1 =	srdreg.scid  }
0x8b: {  	s0 =	sand.u32 $0x1, s1  }
0x8c: {  	s18 =	sshll.u32 s0, $0xA;
	s2 =	sadd.s32 s3, s2  }
0x8d: {  	s2 =	sadd.s32 s2, s18  }
0x8e: {  	[smem:$0x3FC6] =	sst s2  }
0x8f: {  	_ = 	snop  }
0x90: {  	s2 =	sld [smem:$0x3FC9]  }
0x91: {  	s19 =	sld [smem:$0x3FD0];
	(tm) =	ssettm $0x1  }
0x92: {  	s4 =	sld [smem:$0x3FFB];
	_ =	sdelay $0x3  }
0x93: {  	_ =	strace s4  }
0x94: {  	s4 =	sld [smem:$0x3FFC];
	_ =	sdelay $0x3  }
0x95: {  	_ =	strace s4  }
0x96: {  	s4 =	sld [smem:$0x3FFD];
	_ =	sdelay $0x3  }
0x97: {  	_ =	strace s4  }
0x98: {  	_ =	strace $0x8FFFFFFF  }
0x99: {  	s20 =	sld [smem:$0x3FDB];
	_ =	sdelay $0x1  }
0x9a: {  	s5 =	simm.s32 $_scs_section_size  }
0x9b: {  	s6 =	simm.s32 $_size__tile_overlayer_lowered;
	s7 =	simm.s32 $_tile_overlayer_lowered  }
0x9c: {  	s23 =	simm.s32 $0x1BFF;
	s22 =	sshll.u32 s7, $0x1;
	s4 =	sadd.s32 s5, s20  }
0x9d: {  	s8 =	simm.s32 $0x0;
	s21 =	sshll.u32 s6, $0x1;
	s6 =	sadd.s32 s22, s4  }
0x9e: {  	[timem:s8], [sflag:s23] =	dma.local [hbm:s6], s21  }
0x9f: {  	_ =	swait.ge [sflag:s23], s21  }
0xa0: {  	s5 =	ssub.s32 $0x0, s21;
	[sflag:s23] =	ssyncset.done $0x0  }
0xa1: {  	[sflag:s23] =	ssyncadd.s32 s5;
	_ =	sdelay $0x1  }
0xa2: {  	s24 =	simm.s32 $0x1B8B  }
0xa3: {  	_ =	swait.ge [sflag:s24], $0x1  }
0xa4: {  	[sflag:s24] =	ssyncset.done $0x0  }
0xa5: {  	s25 =	simm.s32 $0x1B8E;
	[sflag:s24] =	ssyncadd.s32 $0xFFFFFFFF  }
0xa6: {  	s26 =	simm.s32 $execute0_lowered;
	[smem:$0x3FD2] =	sst s25  }
0xa7: {  	s5 =	sshll.u32 s26, $0x1;
	_ =	strace $0x80000046;
	[dreg:$0x1] =	wrdreg $0xFFFFFFFF  }
0xa8: {  	s28 =	simm.s32 $_size_execute0_lowered;
	s4 =	sadd.s32 s4, s5;
	[dreg:$0x0] =	wrdreg $0x0  }
0xa9: {  	s5 =	sshll.u32 s28, $0x1;
	[dreg:$0x2] =	wrdreg s4  }
0xaa: {  	[dreg:$0x3] =	wrdreg s5  }
0xab: {  	[dreg:$0x4] =	wrdreg $0xC0  }
0xac: {  	_ =	task [dreg:s8], $0x5FFFF  }
0xad: {  	[dreg:$0x1] =	wrdreg $0xFFFFFFFF  }
0xae: {  	[dreg:$0x0] =	wrdreg $0x60  }
0xaf: {  	[dreg:$0x2] =	wrdreg s2  }
0xb0: {  	[dreg:$0x3] =	wrdreg s19  }
0xb1: {  	[dreg:$0x4] =	wrdreg $0x9  }
0xb2: {  	_ =	task.clear_ibuf [dreg:s8], $0x5FFFF;
	_ =	strace $0x90000046  }
0xb3: {  	s29 =	simm.s32 $0x9;
	_ =	strace $0x80000048  }
0xb4: {  	_ =	swait.ge [sflag:s29], $0x1  }
0xb5: {  	[sflag:s29] =	ssyncadd.s32 $0xFFFFFFFF  }
0xb6: {  	_ =	strace $0x90000048  }
0xb7: {  	_ =	sfence  }
0xb8: {  	s30 =	sld [smem:$0x0];
	_ =	sdelay $0x2  }
0xb9: {  	s31 =	sshll.u32 s1, $0xD;
	s1 =	sshrl.u32 s1, $0x2  }
0xba: {  	s3 =	sand.u32 $0x4000, s31;
	s1 =	sadd.s32 s1, s30  }
0xbb: {  	s0 =	sor.u32 s3, s0;
	s1 =	sshll.u32 s1, $0x11  }
0xbc: {  	s0 =	sor.u32 s1, s0  }
0xbd: {  	s0 =	sadd.s32 $0x8F2B, s0  }
0xbe: {  	[sflag:s0] =	ssyncadd.remote.s32 $0x1  }
0xbf: {  	_ =	sfence.sel $0xFFFF  }
0xc0: {  	[dreg:$0x0] =	wrdreg $0xFFFFFFFF;
	(pc) =	sbr.abs _section_cstart, $3  }
0xc1: {  	[dreg:$0x1] =	wrdreg $0xFFFFFFFF  }
0xc2: {  	_ =	task.clear_ibuf [dreg:s8], $0x2FFFF;
	_ =	strace $0x9FFFFFFF  }
0xc3: {  	(tm) =	ssettm $0x7FFFFFFF  }
tec
execute0_lowered:
.L_overlay_start_1:
0x0: {  	(tag) =	ssettag $0x1  }
0x1: {  	s0 =	rddreg [dreg:$0x0]  }
0x2: {  	s6 =	rddreg [dreg:$0x1]  }
0x3: {  	s1 =	srdreg.scid;
	s4 =	simm.s32 $0x0;
	s3 =	stileid.u32  }
0x4: {  	s17 =	simm.s32 $0x200;
	s18 =	simm.s32 $0x400;
	s28 =	simm.s32 $0x3  }
0x5: {  	s29 =	simm.s32 $0x7;
	s30 =	simm.s32 $0xC000;
	s31 =	simm.s32 $0x4  }
0x6: {  	s1 =	sand.u32 $0x1, s1;
	s3 =	sshll.u32 s3, $0x12;
	[smem:$0x7FF] =	sst s4  }
0x7: {  	s10 =	sadd.s32 $0x40, s6;
	s9 =	smov.u32 s6;
	s12 =	sadd.s32 $0x800, s6  }
0x8: {  	s2 =	ssub.s32 $0x2, s1;
	s1 =	sshll.u32 s1, $0x11;
	_ =	strace $0x80000047  }
0x9: {  	s5 =	sshrl.u32 s2, $0x1;
	s4 =	sor.u32 s1, s3;
	s3 =	simm.s32 $0x0  }
0xa: {  	s21 =	ssub.s32 s2, s5;
	s22 =	sadd.s32 s0, s4;
	s26 =	sadd.s32 s4, s10  }
0xb: {  	s0 =	sadd.s32 $0x40, s22;
	s23 =	sadd.s32 $0x800, s22;
	s24 =	sadd.s32 $0x840, s22  }
0xc: {  	s25 =	sadd.s32 $0x1000, s22;
	s11 =	sadd.s32 $0x1040, s22;
	[dreg:$0x3] =	wrdreg s22  }
0xd: {  	s13 =	sadd.s32 $0x1800, s22;
	s14 =	sadd.s32 $0x1840, s22;
	[dreg:$0x4] =	wrdreg s0  }
.Ltmp0:
0xe: {  	s1 =	smax.u32 s21, $0x1;
	[dreg:$0x5] =	wrdreg s23;
	(pc) =	sbr.rel .LBB2_1-.Ltmp0, $4  }
0xf: {  	v0 =	vlaneseq.u32;
	s16 =	sadd.s32 $0x800, s26;
	s21 =	simm.s32 $0x6000;
	[dreg:$0x6] =	wrdreg s24  }
0x10: {  	v0 =	vmul.u32 $0xFFFFFFFF, v0;
	s22 =	simm.s32 $0x1;
	s26 =	simm.s32 $0xA000;
	[dreg:$0x7] =	wrdreg s25  }
0x11: {  	[dreg:$0x8] =	wrdreg s1;
	s23 =	simm.s32 $0x8000;
	s24 =	simm.s32 $0x2  }
0x12: {  	v0 =	vadd.s32 $0xF, v0;
	s25 =	simm.s32 $0x6;
	s0 =	simm.s32 $0x8;
	s1 =	simm.s32 $0xE000  }
.LBB2_32:
0x13: {  	s2 =	simm.s32 $0x5  }
0x14: {  	_ =	swait.ge [sflag:s2], $0x2000  }
0x15: {  	[sflag:s2] =	ssyncset.done $0x0  }
0x16: {  	[sflag:s2] =	ssyncadd.s32 $0xFFFFE000  }
0x17: {  	_ =	swait.ge [sflag:s25], $0x2000  }
0x18: {  	[sflag:s25] =	ssyncset.done $0x0  }
0x19: {  	[sflag:s25] =	ssyncadd.s32 $0xFFFFE000  }
0x1a: {  	_ =	swait.ge [sflag:s29], $0x2000  }
0x1b: {  	[sflag:s29] =	ssyncset.done $0x0  }
0x1c: {  	[sflag:s29] =	ssyncadd.s32 $0xFFFFE000  }
0x1d: {  	_ =	swait.ge [sflag:s0], $0x2000  }
0x1e: {  	s3 =	rddreg [dreg:$0x9]  }
0x1f: {  	s20 =	rddreg [dreg:$0x8];
	s3 =	sadd.s32 $0x1, s3  }
0x20: {  	p0 =	sne.s32 s3, s20  }
.Ltmp1:
0x21: {  	_ = 	snop;
	(pc) =	sbr.rel @!p0 .LBB2_33-.Ltmp1, $3  }
0x22: {  	_ =	sdelay $0x1  }
0x23: {  	[sflag:s0] =	ssyncset.done $0x0  }
0x24: {  	[sflag:s0] =	ssyncadd.s32 $0xFFFFE000  }
.LBB2_1:
0x25: {  	[dreg:$0x9] =	wrdreg s3  }
0x26: {  	s2 =	simm.s32 $0x0;
	s6 =	rddreg [dreg:$0x3]  }
0x27: {  	[tilespmem:s2], [sflag:$0x1] =	stream.strided.gather [hbm4b:s6+s17], $0x2000, s18, s17, $0x38;
	[tilespmem:$0x10000] =	vst v63  }
0x28: {  	s7 =	rddreg [dreg:$0x4];
	s8 =	simm.s32 $0x2000  }
0x29: {  	[tilespmem:s8], [sflag:$0x2] =	stream.strided.gather [hbm4b:s7+s17], $0x2000, s18, s17, $0x38;
	[tilespmem:$0x10000] =	vst v63  }
0x2a: {  	s15 =	rddreg [dreg:$0x5];
	s19 =	simm.s32 $0x4000  }
0x2b: {  	[tilespmem:s19], [sflag:$0x3] =	stream.strided.gather [hbm4b:s15+s17], $0x2000, s18, s17, $0x38;
	[tilespmem:$0x10000] =	vst v63  }
0x2c: {  	s20 =	rddreg [dreg:$0x6];
	s8 =	simm.s32 $0x0  }
0x2d: {  	[tilespmem:s21], [sflag:$0x4] =	stream.strided.gather [hbm4b:s20+s17], $0x2000, s18, s17, $0x38;
	[tilespmem:$0x10000] =	vst v63  }
.LBB2_2:
0x2e: {  	_ =	swait.ge [sflag:s22], $0x2000  }
0x2f: {  	p0 =	seq.s32 s8, $0x0;
	[sflag:s22] =	ssyncset.done $0x0  }
0x30: {  	s2 =	simm.s32 @!p0 $0x5;
	[sflag:s22] =	ssyncadd.s32 $0xFFFFE000  }
0x31: {  	_ =	swait.ge @!p0 [sflag:s2], $0x2000  }
0x32: {  	s15 =	sshll.u32 s8, $0xC;
	s5 =	simm.s32 $0x0;
	[sflag:s2] =	ssyncset.done @!p0 $0x0  }
0x33: {  	s6 =	simm.s32 $0x1E70;
	s7 =	simm.s32 $0x8040;
	[sflag:s2] =	ssyncadd.s32 @!p0 $0xFFFFE000  }
.LBB2_3:
0x34: {  	v3 =	vld [tilespmem:s6+$0xFFFFFF90]  }
0x35: {  	v5 =	vld [tilespmem:s6+$0xFFFFFFF0]  }
0x36: {  	v7 =	vld [tilespmem:s6+$0xFFFFFFE0]  }
0x37: {  	v4 =	vld [tilespmem:s6+$0xFFFFFFD0]  }
0x38: {  	v2 =	vld [tilespmem:s6+$0xFFFFFFC0]  }
0x39: {  	v1 =	vld [tilespmem:s6+$0xFFFFFFB0];
	v8 =	vperm.xlane v3, v0  }
0x3a: {  	v3 =	vld [tilespmem:s6+$0xFFFFFFA0];
	v6 =	vperm.xlane v5, v0  }
0x3b: {  	s19 =	simm.s32 $0x0;
	s20 =	sadd.s32 $0xFFFFFE00, s6;
	s3 =	smov.u32 s7;
	v5 =	vld [tilespmem:s6+$0x0];
	v7 =	vperm.xlane v7, v0;
	[tilespmem:s7+$0x30] =	vst v8  }
.LBB2_4:
0x3c: {  	v8 =	vld [tilespmem:s20+$0xFFFFFF90];
	s19 =	sadd.s32 $0x8, s19;
	[tilespmem:s3+$0xFFFFFFD0] =	vst v6;
	v4 =	vperm.xlane v4, v0  }
0x3d: {  	v6 =	vld [tilespmem:s20+$0xFFFFFFF0];
	p1 =	slt.u32 s19, $0x78;
	[tilespmem:s3+$0xFFFFFFE0] =	vst v7;
	v2 =	vperm.xlane v2, v0  }
0x3e: {  	v7 =	vld [tilespmem:s20+$0xFFFFFFE0];
	[tilespmem:s3+$0xFFFFFFF0] =	vst v4;
	v1 =	vperm.xlane v1, v0  }
.Ltmp2:
0x3f: {  	v4 =	vld [tilespmem:s20+$0xFFFFFFD0];
	[tilespmem:s3+$0x0] =	vst v2;
	v3 =	vperm.xlane v3, v0;
	(pc) =	sbr.rel @p1 .LBB2_4-.Ltmp2, $4  }
0x40: {  	v2 =	vld [tilespmem:s20+$0xFFFFFFC0];
	v5 =	vperm.xlane v5, v0;
	[tilespmem:s3+$0x10] =	vst v1  }
0x41: {  	v1 =	vld [tilespmem:s20+$0xFFFFFFB0];
	v8 =	vperm.xlane v8, v0;
	[tilespmem:s3+$0x20] =	vst v3  }
0x42: {  	v6 =	vperm.xlane v6, v0;
	v3 =	vld [tilespmem:s20+$0xFFFFFFA0];
	[tilespmem:s3+$0xFFFFFFC0] =	vst v5;
	s3 =	sadd.s32 $0x200, s3  }
0x43: {  	v5 =	vld [tilespmem:s20+$0x0];
	v7 =	vperm.xlane v7, v0;
	[tilespmem:s3+$0x30] =	vst v8;
	s20 =	sadd.s32 $0xFFFFFE00, s20  }
0x44: {  	[tilespmem:s3+$0xFFFFFFD0] =	vst v6;
	v4 =	vperm.xlane v4, v0;
	s5 =	sadd.s32 $0x1, s5  }
0x45: {  	[tilespmem:s3+$0xFFFFFFE0] =	vst v7;
	v2 =	vperm.xlane v2, v0;
	p1 =	sne.s32 s5, $0x4  }
.Ltmp3:
0x46: {  	[tilespmem:s3+$0xFFFFFFF0] =	vst v4;
	v1 =	vperm.xlane v1, v0;
	(pc) =	sbr.rel @p1 .LBB2_3-.Ltmp3, $4  }
0x47: {  	[tilespmem:s3+$0x0] =	vst v2;
	v2 =	vperm.xlane v3, v0  }
0x48: {  	v3 =	vperm.xlane v5, v0;
	[tilespmem:s3+$0x10] =	vst v1  }
0x49: {  	[tilespmem:s3+$0x20] =	vst v2  }
0x4a: {  	s6 =	sadd.s32 $0x80, s6;
	s7 =	sadd.s32 $0x80, s7;
	[tilespmem:s3+$0xFFFFFFC0] =	vst v3  }
0x4b: {  	p1 =	sne.s32 s8, $0x1F  }
.Ltmp4:
0x4c: {  	_ = 	snop;
	(pc) =	sbr.rel @p1 .LBB2_8-.Ltmp4, $4  }
0x4d: {  	_ = 	snop  }
0x4e: {  	s5 =	sor.u32 s4, s15  }
0x4f: {  	s2 =	sadd.s32 s9, s5  }
0x50: {  	[hbm4b:s2+s17] =	stream.strided.scatter [tilespmem:s23], [sflag:$0x5], $0x2000, s18, s17, $0x38;
	[tilespmem:$0x10000] =	vst v63  }
.Ltmp5:
0x51: {  	(pc) =	sbr.rel .LBB2_9-.Ltmp5, $4  }
0x52: {  	_ = 	snop  }
0x53: {  	_ =	swait.ge [sflag:s24], $0x2000  }
0x54: {  	[sflag:s24] =	ssyncset.done $0x0  }
0x55: {  	[sflag:s24] =	ssyncadd.s32 $0xFFFFE000  }
.LBB2_8:
0x56: {  	s2 =	rddreg [dreg:$0x7]  }
.Ltmp6:
0x57: {  	s3 =	simm.s32 $0x0;
	s2 =	sadd.s32 s15, s2;
	(pc) =	sbr.rel @p0 .LBB2_10-.Ltmp6, $4  }
0x58: {  	[tilespmem:s3], [sflag:$0x1] =	stream.strided.gather [hbm4b:s2+s17], $0x2000, s18, s17, $0x38;
	[tilespmem:$0x10000] =	vst v63  }
0x59: {  	_ =	swait.ge [sflag:s24], $0x2000  }
0x5a: {  	[sflag:s24] =	ssyncset.done $0x0  }
0x5b: {  	[sflag:s24] =	ssyncadd.s32 $0xFFFFE000  }
.LBB2_9:
0x5c: {  	_ =	swait.ge [sflag:s25], $0x2000  }
0x5d: {  	[sflag:s25] =	ssyncset.done $0x0  }
0x5e: {  	[sflag:s25] =	ssyncadd.s32 $0xFFFFE000  }
.LBB2_10:
0x5f: {  	s6 =	simm.s32 $0x0;
	s7 =	simm.s32 $0x3E70;
	s19 =	simm.s32 $0xA040  }
.LBB2_11:
0x60: {  	v3 =	vld [tilespmem:s7+$0xFFFFFF90]  }
0x61: {  	v5 =	vld [tilespmem:s7+$0xFFFFFFF0]  }
0x62: {  	v7 =	vld [tilespmem:s7+$0xFFFFFFE0]  }
0x63: {  	v4 =	vld [tilespmem:s7+$0xFFFFFFD0]  }
0x64: {  	v2 =	vld [tilespmem:s7+$0xFFFFFFC0]  }
0x65: {  	v1 =	vld [tilespmem:s7+$0xFFFFFFB0];
	v8 =	vperm.xlane v3, v0  }
0x66: {  	v3 =	vld [tilespmem:s7+$0xFFFFFFA0];
	v6 =	vperm.xlane v5, v0  }
0x67: {  	s20 =	simm.s32 $0x0;
	s2 =	sadd.s32 $0xFFFFFE00, s7;
	s3 =	smov.u32 s19;
	v5 =	vld [tilespmem:s7+$0x0];
	v7 =	vperm.xlane v7, v0;
	[tilespmem:s19+$0x30] =	vst v8  }
.LBB2_12:
0x68: {  	v8 =	vld [tilespmem:s2+$0xFFFFFF90];
	s20 =	sadd.s32 $0x8, s20;
	[tilespmem:s3+$0xFFFFFFD0] =	vst v6;
	v4 =	vperm.xlane v4, v0  }
0x69: {  	v6 =	vld [tilespmem:s2+$0xFFFFFFF0];
	p2 =	slt.u32 s20, $0x78;
	[tilespmem:s3+$0xFFFFFFE0] =	vst v7;
	v2 =	vperm.xlane v2, v0  }
0x6a: {  	v7 =	vld [tilespmem:s2+$0xFFFFFFE0];
	[tilespmem:s3+$0xFFFFFFF0] =	vst v4;
	v1 =	vperm.xlane v1, v0  }
.Ltmp7:
0x6b: {  	v4 =	vld [tilespmem:s2+$0xFFFFFFD0];
	[tilespmem:s3+$0x0] =	vst v2;
	v3 =	vperm.xlane v3, v0;
	(pc) =	sbr.rel @p2 .LBB2_12-.Ltmp7, $4  }
0x6c: {  	v2 =	vld [tilespmem:s2+$0xFFFFFFC0];
	v5 =	vperm.xlane v5, v0;
	[tilespmem:s3+$0x10] =	vst v1  }
0x6d: {  	v1 =	vld [tilespmem:s2+$0xFFFFFFB0];
	v8 =	vperm.xlane v8, v0;
	[tilespmem:s3+$0x20] =	vst v3  }
0x6e: {  	v6 =	vperm.xlane v6, v0;
	v3 =	vld [tilespmem:s2+$0xFFFFFFA0];
	[tilespmem:s3+$0xFFFFFFC0] =	vst v5;
	s3 =	sadd.s32 $0x200, s3  }
0x6f: {  	v5 =	vld [tilespmem:s2+$0x0];
	v7 =	vperm.xlane v7, v0;
	[tilespmem:s3+$0x30] =	vst v8;
	s2 =	sadd.s32 $0xFFFFFE00, s2  }
0x70: {  	[tilespmem:s3+$0xFFFFFFD0] =	vst v6;
	v4 =	vperm.xlane v4, v0;
	s6 =	sadd.s32 $0x1, s6  }
0x71: {  	[tilespmem:s3+$0xFFFFFFE0] =	vst v7;
	v2 =	vperm.xlane v2, v0;
	p2 =	sne.s32 s6, $0x4  }
.Ltmp8:
0x72: {  	[tilespmem:s3+$0xFFFFFFF0] =	vst v4;
	v1 =	vperm.xlane v1, v0;
	(pc) =	sbr.rel @p2 .LBB2_11-.Ltmp8, $4  }
0x73: {  	[tilespmem:s3+$0x0] =	vst v2;
	v2 =	vperm.xlane v3, v0  }
0x74: {  	v3 =	vperm.xlane v5, v0;
	[tilespmem:s3+$0x10] =	vst v1  }
0x75: {  	[tilespmem:s3+$0x20] =	vst v2  }
0x76: {  	s7 =	sadd.s32 $0x80, s7;
	s19 =	sadd.s32 $0x80, s19;
	[tilespmem:s3+$0xFFFFFFC0] =	vst v3  }
.Ltmp9:
0x77: {  	(pc) =	sbr.rel @p1 .LBB2_16-.Ltmp9, $3  }
0x78: {  	_ =	sdelay $0x1  }
0x79: {  	s2 =	sadd.s32 s5, s10  }
0x7a: {  	[hbm4b:s2+s17] =	stream.strided.scatter [tilespmem:s26], [sflag:$0x6], $0x2000, s18, s17, $0x38;
	[tilespmem:$0x10000] =	vst v63  }
.Ltmp10:
0x7b: {  	(pc) =	sbr.rel .LBB2_17-.Ltmp10, $4  }
0x7c: {  	_ = 	snop  }
0x7d: {  	_ =	swait.ge [sflag:s28], $0x2000  }
0x7e: {  	[sflag:s28] =	ssyncset.done $0x0  }
0x7f: {  	[sflag:s28] =	ssyncadd.s32 $0xFFFFE000  }
.LBB2_16:
.Ltmp11:
0x80: {  	s2 =	sadd.s32 s15, s11;
	s3 =	simm.s32 $0x2000;
	(pc) =	sbr.rel @p0 .LBB2_18-.Ltmp11, $4  }
0x81: {  	[tilespmem:s3], [sflag:$0x2] =	stream.strided.gather [hbm4b:s2+s17], $0x2000, s18, s17, $0x38;
	[tilespmem:$0x10000] =	vst v63  }
0x82: {  	_ =	swait.ge [sflag:s28], $0x2000  }
0x83: {  	[sflag:s28] =	ssyncset.done $0x0  }
0x84: {  	[sflag:s28] =	ssyncadd.s32 $0xFFFFE000  }
.LBB2_17:
0x85: {  	_ =	swait.ge [sflag:s29], $0x2000  }
0x86: {  	[sflag:s29] =	ssyncset.done $0x0  }
0x87: {  	[sflag:s29] =	ssyncadd.s32 $0xFFFFE000  }
.LBB2_18:
0x88: {  	s6 =	simm.s32 $0x0;
	s7 =	simm.s32 $0x5E70;
	s3 =	simm.s32 $0xC040  }
.LBB2_19:
0x89: {  	v3 =	vld [tilespmem:s7+$0xFFFFFF90]  }
0x8a: {  	v5 =	vld [tilespmem:s7+$0xFFFFFFF0]  }
0x8b: {  	v7 =	vld [tilespmem:s7+$0xFFFFFFE0]  }
0x8c: {  	v4 =	vld [tilespmem:s7+$0xFFFFFFD0]  }
0x8d: {  	v2 =	vld [tilespmem:s7+$0xFFFFFFC0]  }
0x8e: {  	v1 =	vld [tilespmem:s7+$0xFFFFFFB0];
	v8 =	vperm.xlane v3, v0  }
0x8f: {  	v3 =	vld [tilespmem:s7+$0xFFFFFFA0];
	v6 =	vperm.xlane v5, v0  }
0x90: {  	s20 =	simm.s32 $0x0;
	s2 =	sadd.s32 $0xFFFFFE00, s7;
	s19 =	smov.u32 s3;
	v5 =	vld [tilespmem:s7+$0x0];
	v7 =	vperm.xlane v7, v0;
	[tilespmem:s3+$0x30] =	vst v8  }
.LBB2_20:
0x91: {  	v8 =	vld [tilespmem:s2+$0xFFFFFF90];
	s20 =	sadd.s32 $0x8, s20;
	[tilespmem:s19+$0xFFFFFFD0] =	vst v6;
	v4 =	vperm.xlane v4, v0  }
0x92: {  	v6 =	vld [tilespmem:s2+$0xFFFFFFF0];
	p2 =	slt.u32 s20, $0x78;
	[tilespmem:s19+$0xFFFFFFE0] =	vst v7;
	v2 =	vperm.xlane v2, v0  }
0x93: {  	v7 =	vld [tilespmem:s2+$0xFFFFFFE0];
	[tilespmem:s19+$0xFFFFFFF0] =	vst v4;
	v1 =	vperm.xlane v1, v0  }
.Ltmp12:
0x94: {  	v4 =	vld [tilespmem:s2+$0xFFFFFFD0];
	[tilespmem:s19+$0x0] =	vst v2;
	v3 =	vperm.xlane v3, v0;
	(pc) =	sbr.rel @p2 .LBB2_20-.Ltmp12, $4  }
0x95: {  	v2 =	vld [tilespmem:s2+$0xFFFFFFC0];
	v5 =	vperm.xlane v5, v0;
	[tilespmem:s19+$0x10] =	vst v1  }
0x96: {  	v1 =	vld [tilespmem:s2+$0xFFFFFFB0];
	v8 =	vperm.xlane v8, v0;
	[tilespmem:s19+$0x20] =	vst v3  }
0x97: {  	v6 =	vperm.xlane v6, v0;
	v3 =	vld [tilespmem:s2+$0xFFFFFFA0];
	[tilespmem:s19+$0xFFFFFFC0] =	vst v5;
	s19 =	sadd.s32 $0x200, s19  }
0x98: {  	v5 =	vld [tilespmem:s2+$0x0];
	v7 =	vperm.xlane v7, v0;
	[tilespmem:s19+$0x30] =	vst v8;
	s2 =	sadd.s32 $0xFFFFFE00, s2  }
0x99: {  	[tilespmem:s19+$0xFFFFFFD0] =	vst v6;
	v4 =	vperm.xlane v4, v0;
	s6 =	sadd.s32 $0x1, s6  }
0x9a: {  	[tilespmem:s19+$0xFFFFFFE0] =	vst v7;
	v2 =	vperm.xlane v2, v0;
	p2 =	sne.s32 s6, $0x4  }
.Ltmp13:
0x9b: {  	[tilespmem:s19+$0xFFFFFFF0] =	vst v4;
	v1 =	vperm.xlane v1, v0;
	(pc) =	sbr.rel @p2 .LBB2_19-.Ltmp13, $4  }
0x9c: {  	[tilespmem:s19+$0x0] =	vst v2;
	v2 =	vperm.xlane v3, v0  }
0x9d: {  	v3 =	vperm.xlane v5, v0;
	[tilespmem:s19+$0x10] =	vst v1  }
0x9e: {  	[tilespmem:s19+$0x20] =	vst v2  }
0x9f: {  	s7 =	sadd.s32 $0x80, s7;
	s3 =	sadd.s32 $0x80, s3;
	[tilespmem:s19+$0xFFFFFFC0] =	vst v3  }
.Ltmp14:
0xa0: {  	(pc) =	sbr.rel @p1 .LBB2_24-.Ltmp14, $3  }
0xa1: {  	_ =	sdelay $0x1  }
0xa2: {  	s2 =	sadd.s32 s5, s12  }
0xa3: {  	[hbm4b:s2+s17] =	stream.strided.scatter [tilespmem:s30], [sflag:$0x7], $0x2000, s18, s17, $0x38;
	[tilespmem:$0x10000] =	vst v63  }
.Ltmp15:
0xa4: {  	(pc) =	sbr.rel .LBB2_25-.Ltmp15, $4  }
0xa5: {  	_ = 	snop  }
0xa6: {  	_ =	swait.ge [sflag:s31], $0x2000  }
0xa7: {  	[sflag:s31] =	ssyncset.done $0x0  }
0xa8: {  	[sflag:s31] =	ssyncadd.s32 $0xFFFFE000  }
.LBB2_24:
.Ltmp16:
0xa9: {  	s2 =	sadd.s32 s15, s13;
	s3 =	simm.s32 $0x4000;
	(pc) =	sbr.rel @p0 .LBB2_26-.Ltmp16, $4  }
0xaa: {  	[tilespmem:s3], [sflag:$0x3] =	stream.strided.gather [hbm4b:s2+s17], $0x2000, s18, s17, $0x38;
	[tilespmem:$0x10000] =	vst v63  }
0xab: {  	_ =	swait.ge [sflag:s31], $0x2000  }
0xac: {  	[sflag:s31] =	ssyncset.done $0x0  }
0xad: {  	[sflag:s31] =	ssyncadd.s32 $0xFFFFE000  }
.LBB2_25:
0xae: {  	_ =	swait.ge [sflag:s0], $0x2000  }
0xaf: {  	[sflag:s0] =	ssyncset.done $0x0  }
0xb0: {  	[sflag:s0] =	ssyncadd.s32 $0xFFFFE000  }
.LBB2_26:
0xb1: {  	s5 =	simm.s32 $0x0;
	s6 =	simm.s32 $0x7E70;
	s3 =	simm.s32 $0xE040  }
.LBB2_27:
0xb2: {  	v3 =	vld [tilespmem:s6+$0xFFFFFF90]  }
0xb3: {  	v5 =	vld [tilespmem:s6+$0xFFFFFFF0]  }
0xb4: {  	v7 =	vld [tilespmem:s6+$0xFFFFFFE0]  }
0xb5: {  	v4 =	vld [tilespmem:s6+$0xFFFFFFD0]  }
0xb6: {  	v2 =	vld [tilespmem:s6+$0xFFFFFFC0]  }
0xb7: {  	v1 =	vld [tilespmem:s6+$0xFFFFFFB0];
	v8 =	vperm.xlane v3, v0  }
0xb8: {  	v3 =	vld [tilespmem:s6+$0xFFFFFFA0];
	v6 =	vperm.xlane v5, v0  }
0xb9: {  	s19 =	simm.s32 $0x0;
	s2 =	sadd.s32 $0xFFFFFE00, s6;
	s7 =	smov.u32 s3;
	v5 =	vld [tilespmem:s6+$0x0];
	v7 =	vperm.xlane v7, v0;
	[tilespmem:s3+$0x30] =	vst v8  }
.LBB2_28:
0xba: {  	v8 =	vld [tilespmem:s2+$0xFFFFFF90];
	s19 =	sadd.s32 $0x8, s19;
	[tilespmem:s7+$0xFFFFFFD0] =	vst v6;
	v4 =	vperm.xlane v4, v0  }
0xbb: {  	v6 =	vld [tilespmem:s2+$0xFFFFFFF0];
	p0 =	slt.u32 s19, $0x78;
	[tilespmem:s7+$0xFFFFFFE0] =	vst v7;
	v2 =	vperm.xlane v2, v0  }
0xbc: {  	v7 =	vld [tilespmem:s2+$0xFFFFFFE0];
	[tilespmem:s7+$0xFFFFFFF0] =	vst v4;
	v1 =	vperm.xlane v1, v0  }
.Ltmp17:
0xbd: {  	v4 =	vld [tilespmem:s2+$0xFFFFFFD0];
	[tilespmem:s7+$0x0] =	vst v2;
	v3 =	vperm.xlane v3, v0;
	(pc) =	sbr.rel @p0 .LBB2_28-.Ltmp17, $4  }
0xbe: {  	v2 =	vld [tilespmem:s2+$0xFFFFFFC0];
	v5 =	vperm.xlane v5, v0;
	[tilespmem:s7+$0x10] =	vst v1  }
0xbf: {  	v1 =	vld [tilespmem:s2+$0xFFFFFFB0];
	v8 =	vperm.xlane v8, v0;
	[tilespmem:s7+$0x20] =	vst v3  }
0xc0: {  	v6 =	vperm.xlane v6, v0;
	v3 =	vld [tilespmem:s2+$0xFFFFFFA0];
	[tilespmem:s7+$0xFFFFFFC0] =	vst v5;
	s7 =	sadd.s32 $0x200, s7  }
0xc1: {  	v5 =	vld [tilespmem:s2+$0x0];
	v7 =	vperm.xlane v7, v0;
	[tilespmem:s7+$0x30] =	vst v8;
	s2 =	sadd.s32 $0xFFFFFE00, s2  }
0xc2: {  	[tilespmem:s7+$0xFFFFFFD0] =	vst v6;
	v4 =	vperm.xlane v4, v0;
	s5 =	sadd.s32 $0x1, s5  }
0xc3: {  	[tilespmem:s7+$0xFFFFFFE0] =	vst v7;
	v2 =	vperm.xlane v2, v0;
	p0 =	sne.s32 s5, $0x4  }
.Ltmp18:
0xc4: {  	[tilespmem:s7+$0xFFFFFFF0] =	vst v4;
	v1 =	vperm.xlane v1, v0;
	(pc) =	sbr.rel @p0 .LBB2_27-.Ltmp18, $4  }
0xc5: {  	[tilespmem:s7+$0x0] =	vst v2;
	v2 =	vperm.xlane v3, v0  }
0xc6: {  	v3 =	vperm.xlane v5, v0;
	[tilespmem:s7+$0x10] =	vst v1  }
0xc7: {  	[tilespmem:s7+$0x20] =	vst v2  }
0xc8: {  	s6 =	sadd.s32 $0x80, s6;
	s3 =	sadd.s32 $0x80, s3;
	[tilespmem:s7+$0xFFFFFFC0] =	vst v3  }
0xc9: {  	p0 =	seq.s32 s8, $0x1F  }
.Ltmp19:
0xca: {  	_ = 	snop;
	(pc) =	sbr.rel @p0 .LBB2_32-.Ltmp19, $3  }
0xcb: {  	_ =	sdelay $0x1  }
0xcc: {  	s2 =	sadd.s32 s16, s15  }
0xcd: {  	[hbm4b:s2+s17] =	stream.strided.scatter [tilespmem:s1], [sflag:$0x8], $0x2000, s18, s17, $0x38;
	[tilespmem:$0x10000] =	vst v63  }
.Ltmp20:
0xce: {  	(pc) =	sbr.rel .LBB2_2-.Ltmp20, $3  }
0xcf: {  	_ =	sdelay $0x1  }
0xd0: {  	s2 =	sadd.s32 s15, s14;
	s8 =	sadd.s32 $0x1, s8  }
0xd1: {  	[tilespmem:s21], [sflag:$0x4] =	stream.strided.gather [hbm4b:s2+s17], $0x2000, s18, s17, $0x38;
	[tilespmem:$0x10000] =	vst v63  }
.LBB2_33:
0xd2: {  	_ =	sfence.sel $0x180000  }
0xd3: {  	[bflag:$0x0] =	sbarrier.arrive $0xFFFF  }
0xd4: {  	_ =	strace $0x90000047  }
0xd5: {  	s0 =	stileid.u32;
	[bflag:$0x2] =	sbarrier.arrive $0xFFFF  }
0xd6: {  	p0 =	sne.s32 s0, $0x0;
	s0 =	rddreg [dreg:$0x2]  }
0xd7: {  	s0 =	sadd.s32 @!p0 $0x100000, s0  }
0xd8: {  	[sflag:s0] =	ssyncadd.tile.s32 @!p0 $0x1;
	_ =	shalt  }
.Lfunc_end2:
_tile_overlayer_lowered:
.L_overlay_start_2:
0xd9: {  	(tag) =	ssettag $0x2  }
0xda: {  	s0 =	rddreg [dreg:$0x0];
	s2 =	stileid.u32  }
0xdb: {  	s1 =	rddreg [dreg:$0x1];
	p0 =	sne.s32 s2, $0x0  }
0xdc: {  	s3 =	rddreg [dreg:$0x2];
	[bflag:$0x3] =	sbarrier.arrive $0xFFFF;
	s2 =	simm.s32 @!p0 $0x1C09  }
0xdd: {  	[timem:s3], [sflag:s2] =	dma.local @!p0 [hbm:s0], s1  }
0xde: {  	s0 =	simm.s32 @!p0 $0x9  }
0xdf: {  	_ =	swait.ge @!p0 [sflag:s0], s1  }
0xe0: {  	s1 =	ssub.s32 @!p0 $0x0, s1;
	[sflag:s0] =	ssyncset.done @!p0 $0x0  }
0xe1: {  	[sflag:s0] =	ssyncadd.s32 @!p0 s1  }
0xe2: {  	[bflag:$0x3] =	sbarrier.arrive $0xFFFF  }
0xe3: {  	_ =	shalt  }

</sc_bundles>
